<compile_context>
chip_gen: v7x
topology: tpu7x:2x2x1
jax: 0.10.2.dev20260603
libtpu: 0.0.44.dev20260713+nightly
codegen_flags: <defaults>
</compile_context>

<pallas_src>
import functools

import jax
import jax.numpy as jnp
from jax import lax
from jax.experimental import pallas as pl
from jax.experimental.pallas import tpu as pltpu
from jax.experimental.pallas import tpu_sc as plsc

VOCAB = 1000
VOCAB_PAD = 1024
EMBED_DIM = 32
BATCH = 16384
PAD_DIM = 128
CHUNK = 128
NBUF = 4


@functools.lru_cache(maxsize=None)
def _build():
    info = plsc.get_sparse_core_info()
    nc, ns = info.num_cores, info.num_subcores
    nw = nc * ns
    b_per_w = BATCH // nw
    rows_per_stager = VOCAB_PAD // ns

    mesh = plsc.VectorSubcoreMesh(core_axis_name="c", subcore_axis_name="s")

    @functools.partial(
        pl.kernel,
        mesh=mesh,
        out_type=jax.ShapeDtypeStruct((BATCH, PAD_DIM), jnp.float32),
        scratch_types=[
            pltpu.VMEM((b_per_w,), jnp.int32),
            pltpu.VMEM((NBUF, CHUNK, PAD_DIM), jnp.float32),
            pltpu.VMEM_SHARED((VOCAB_PAD, PAD_DIM), jnp.float32),
            pltpu.SemaphoreType.DMA,
            pltpu.SemaphoreType.DMA,
        ] + [pltpu.SemaphoreType.DMA] * NBUF,
    )
    def gather_kernel(idx_hbm, table_hbm, out_hbm, idx_v, rows_v, table_sp,
                      isem, gsem, *wsems):
        sid = lax.axis_index("s")
        wid = sid * nc + lax.axis_index("c")
        base = wid * b_per_w
        n_chunks = b_per_w // CHUNK
        idx_cp = pltpu.async_copy(
            idx_hbm.at[pl.ds(base, b_per_w)], idx_v, isem)
        pltpu.sync_copy(
            table_hbm.at[pl.ds(sid * rows_per_stager, rows_per_stager)],
            table_sp.at[pl.ds(sid * rows_per_stager, rows_per_stager)])
        idx_cp.wait()
        plsc.subcore_barrier()
        writes = [None] * NBUF
        for k in range(n_chunks):
            b = k % NBUF
            if writes[b] is not None:
                writes[b].wait()
            pltpu.async_copy(
                table_sp.at[idx_v.at[pl.ds(k * CHUNK, CHUNK)]],
                rows_v.at[b], gsem).wait()
            writes[b] = pltpu.async_copy(
                rows_v.at[b], out_hbm.at[pl.ds(base + k * CHUNK, CHUNK)],
                wsems[b])
        for w in writes:
            if w is not None:
                w.wait()

    return gather_kernel


@functools.lru_cache(maxsize=None)
def _build_transpose():
    blk = 4096

    def body(in_ref, out_ref):
        out_ref[...] = lax.transpose(in_ref[:, :EMBED_DIM], (1, 0))

    return pl.pallas_call(
        body,
        grid=(BATCH // blk,),
        in_specs=[pl.BlockSpec((blk, PAD_DIM), lambda i: (i, 0))],
        out_specs=pl.BlockSpec((EMBED_DIM, blk), lambda i: (0, i)),
        out_shape=jax.ShapeDtypeStruct((EMBED_DIM, BATCH), jnp.float32),
    )


def kernel(user_id, table):
    table_padded = jnp.pad(
        table, ((0, VOCAB_PAD - VOCAB), (0, PAD_DIM - EMBED_DIM)))
    out_padded = _build()(user_id, table_padded)
    return _build_transpose()(out_padded).T

# --- scband reference (transcript-rebuilt; emitter-appended) ---
"""Pipeline reference for scband-simple-user-model-78348793414062 (READ-ONLY COPY).

The authoritative reference and input builder live on the scoring server;
editing this copy changes nothing except your own understanding.
"""

import jax, jax.numpy as jnp
import numpy as np

VOCAB = 1000
EMBED_DIM = 32
BATCH = 16384

def setup_inputs(seed: int = 0) -> dict:
    key = jax.random.key(seed)
    k1, k2 = jax.random.split(key)
    # user_id: integer ids in [0, VOCAB). The original keras model uses a
    # StringLookup layer to map string ids to integer indices; here the
    # lookup is modeled as the identity mapping on pre-resolved int ids.
    user_id = jax.random.randint(k1, (BATCH,), 0, VOCAB).astype(jnp.int32)
    # Embedding table parameter, keras default uniform init scale ~0.05
    table = jax.random.uniform(k2, (VOCAB, EMBED_DIM), dtype=jnp.float32, minval=-0.05, maxval=0.05)
    return {"user_id": user_id, "table": table}

def reference(user_id, table):
    # StringLookup(user_id) -> user_idx (modeled as identity on int ids)
    user_idx = user_id
    # Embedding lookup: gather rows of the table
    user_embedding = jnp.take(table, user_idx, axis=0)
    return user_embedding

if __name__ == "__main__":
    import jax
    _d = setup_inputs()
    print(jax.jit(kernel)(*tuple(_d.values())))

</pallas_src>

<mosaic_0001>
#map = affine_map<(d0, d1) -> (0)>
#map1 = affine_map<(d0, d1) -> (0, 0)>
module attributes {stable_mosaic.version = 14 : i64} {
  func.func @gather_kernel(%arg0: i32, %arg1: i32, %arg2: memref<16384xi32, #tpu.memory_space<hbm>>, %arg3: memref<1024x128xf32, #tpu.memory_space<hbm>>, %arg4: memref<16384x128xf32, #tpu.memory_space<hbm>>, %arg5: memref<512xi32, #tpu.memory_space<vmem>>, %arg6: memref<4x128x128xf32, #tpu.memory_space<vmem>>, %arg7: memref<1024x128xf32, #tpu.memory_space<vmem_shared>>, %arg8: memref<!tpu.dma_semaphore, #tpu.memory_space<semaphore_mem>>, %arg9: memref<!tpu.dma_semaphore, #tpu.memory_space<semaphore_mem>>, %arg10: memref<!tpu.dma_semaphore, #tpu.memory_space<semaphore_mem>>, %arg11: memref<!tpu.dma_semaphore, #tpu.memory_space<semaphore_mem>>, %arg12: memref<!tpu.dma_semaphore, #tpu.memory_space<semaphore_mem>>, %arg13: memref<!tpu.dma_semaphore, #tpu.memory_space<semaphore_mem>>) attributes {dimension_semantics = [#tpu.dimension_semantics<core_parallel>, #tpu.dimension_semantics<subcore_parallel>], iteration_bounds = array<i64: 2, 16>, scalar_prefetch = 0 : i64, scratch_operands = 9 : i64, tpu.core_type = #tpu.core_type<sc_vector_subcore>, window_params = [{transform_indices = #map}, {transform_indices = #map1}, {transform_indices = #map1}]} {
    %mul3A = arith.constant 2 : i32
    %mul3A_0 = arith.muli %arg1, %mul3A : i32
    %add3A = arith.addi %mul3A_0, %arg0 : i32
    %mul3A_1 = arith.constant 512 : i32
    %mul3A_2 = arith.muli %add3A, %mul3A_1 : i32
    %dma_start3A = tpu.memref_slice %arg2[%mul3A_2] : memref<16384xi32, #tpu.memory_space<hbm>> -> memref<512xi32, #tpu.memory_space<hbm>>
    %dma_start3A_3 = tpu.memref_slice %arg2[%mul3A_2] : memref<16384xi32, #tpu.memory_space<hbm>> -> memref<512xi32, #tpu.memory_space<hbm>>
    tpu.enqueue_dma source(%dma_start3A_3 : memref<512xi32, #tpu.memory_space<hbm>>) target(%arg5 : memref<512xi32, #tpu.memory_space<vmem>>) target_semaphore(%arg8 : memref<!tpu.dma_semaphore, #tpu.memory_space<semaphore_mem>>)
    %mul3A_4 = arith.constant 64 : i32
    %mul3A_5 = arith.muli %arg1, %mul3A_4 : i32
    %mul3A_6 = arith.constant 64 : i32
    %mul3A_7 = arith.muli %arg1, %mul3A_6 : i32
    "tpu.region"() ({
      %run_scoped3A = tpu.sem_alloc : memref<!tpu.dma_semaphore, #tpu.memory_space<semaphore_mem>>
      %dma_start3A_201 = arith.constant 0 : i32
      %dma_start3A_202 = tpu.memref_slice %arg7[%mul3A_7, %dma_start3A_201] : memref<1024x128xf32, #tpu.memory_space<vmem_shared>> -> memref<64x128xf32, #tpu.memory_space<vmem_shared>>
      %dma_start3A_203 = arith.constant 0 : i32
      %dma_start3A_204 = tpu.memref_slice %arg3[%mul3A_5, %dma_start3A_203] : memref<1024x128xf32, #tpu.memory_space<hbm>> -> memref<64x128xf32, #tpu.memory_space<hbm>>
      tpu.enqueue_dma source(%dma_start3A_204 : memref<64x128xf32, #tpu.memory_space<hbm>>) target(%dma_start3A_202 : memref<64x128xf32, #tpu.memory_space<vmem_shared>>) target_semaphore(%run_scoped3A : memref<!tpu.dma_semaphore, #tpu.memory_space<semaphore_mem>>)
      %dma_wait3A_205 = arith.constant 0 : i32
      %dma_wait3A_206 = tpu.memref_slice %arg7[%mul3A_7, %dma_wait3A_205] : memref<1024x128xf32, #tpu.memory_space<vmem_shared>> -> memref<64x128xf32, #tpu.memory_space<vmem_shared>>
      %dma_wait3A_207 = arith.constant 0 : i32
      %dma_wait3A_208 = tpu.memref_slice %arg3[%mul3A_5, %dma_wait3A_207] : memref<1024x128xf32, #tpu.memory_space<hbm>> -> memref<64x128xf32, #tpu.memory_space<hbm>>
      tpu.wait_dma2 semaphore(%run_scoped3A : memref<!tpu.dma_semaphore, #tpu.memory_space<semaphore_mem>>) src(%dma_wait3A_208 : memref<64x128xf32, #tpu.memory_space<hbm>>) dst(%dma_wait3A_206 : memref<64x128xf32, #tpu.memory_space<vmem_shared>>)
      tpu.yield
    }) : () -> ()
    %dma_wait3A = tpu.memref_slice %arg2[%mul3A_2] : memref<16384xi32, #tpu.memory_space<hbm>> -> memref<512xi32, #tpu.memory_space<hbm>>
    %dma_wait3A_8 = tpu.memref_slice %arg2[%mul3A_2] : memref<16384xi32, #tpu.memory_space<hbm>> -> memref<512xi32, #tpu.memory_space<hbm>>
    tpu.wait_dma2 semaphore(%arg8 : memref<!tpu.dma_semaphore, #tpu.memory_space<semaphore_mem>>) src(%dma_wait3A_8 : memref<512xi32, #tpu.memory_space<hbm>>) dst(%arg5 : memref<512xi32, #tpu.memory_space<vmem>>)
    %barrier3A = arith.constant 0 : index
    tpu.barrier barrier_id(%barrier3A)
    %dma_start3A_9 = arith.constant 0 : i32
    %dma_start3A_10 = arith.constant 0 : i32
    %dma_start3A_11 = arith.constant 0 : i32
    %dma_start3A_12 = tpu.memref_slice %arg6[%dma_start3A_9, %dma_start3A_10, %dma_start3A_11] : memref<4x128x128xf32, #tpu.memory_space<vmem>> -> memref<1x128x128xf32, #tpu.memory_space<vmem>>
    %dma_start3A_13 = tpu.memref_squeeze %dma_start3A_12 : memref<1x128x128xf32, #tpu.memory_space<vmem>> -> memref<128x128xf32, #tpu.memory_space<vmem>>
    %dma_start3A_14 = arith.constant 0 : i32
    %dma_start3A_15 = tpu.memref_slice %arg5[%dma_start3A_14] : memref<512xi32, #tpu.memory_space<vmem>> -> memref<128xi32, #tpu.memory_space<vmem>>
    %dma_start3A_16 = arith.constant 0 : i32
    %dma_start3A_17 = arith.constant 0 : i32
    %dma_start3A_18 = tpu.memref_slice %arg7[%dma_start3A_16, %dma_start3A_17] : memref<1024x128xf32, #tpu.memory_space<vmem_shared>> -> memref<1024x128xf32, #tpu.memory_space<vmem_shared>>
    tpu.enqueue_indirect_dma source(%dma_start3A_18 : memref<1024x128xf32, #tpu.memory_space<vmem_shared>>) target(%dma_start3A_13 : memref<128x128xf32, #tpu.memory_space<vmem>>) offsets(%dma_start3A_15 : memref<128xi32, #tpu.memory_space<vmem>>) semaphore(%arg9 : memref<!tpu.dma_semaphore, #tpu.memory_space<semaphore_mem>>)
    %dma_wait3A_19 = arith.constant 0 : i32
    %dma_wait3A_20 = arith.constant 0 : i32
    %dma_wait3A_21 = arith.constant 0 : i32
    %dma_wait3A_22 = tpu.memref_slice %arg6[%dma_wait3A_19, %dma_wait3A_20, %dma_wait3A_21] : memref<4x128x128xf32, #tpu.memory_space<vmem>> -> memref<1x128x128xf32, #tpu.memory_space<vmem>>
    %dma_wait3A_23 = tpu.memref_squeeze %dma_wait3A_22 : memref<1x128x128xf32, #tpu.memory_space<vmem>> -> memref<128x128xf32, #tpu.memory_space<vmem>>
    %dma_wait3A_24 = arith.constant 0 : i32
    %dma_wait3A_25 = tpu.memref_slice %arg5[%dma_wait3A_24] : memref<512xi32, #tpu.memory_space<vmem>> -> memref<128xi32, #tpu.memory_space<vmem>>
    %dma_wait3A_26 = arith.constant 0 : i32
    %dma_wait3A_27 = arith.constant 0 : i32
    %dma_wait3A_28 = tpu.memref_slice %arg7[%dma_wait3A_26, %dma_wait3A_27] : memref<1024x128xf32, #tpu.memory_space<vmem_shared>> -> memref<1024x128xf32, #tpu.memory_space<vmem_shared>>
    tpu.wait_indirect_dma semaphore(%arg9 : memref<!tpu.dma_semaphore, #tpu.memory_space<semaphore_mem>>) src(%dma_wait3A_28 : memref<1024x128xf32, #tpu.memory_space<vmem_shared>>) dst(%dma_wait3A_23 : memref<128x128xf32, #tpu.memory_space<vmem>>)
    %add3A_29 = arith.constant 0 : i32
    %add3A_30 = arith.addi %mul3A_2, %add3A_29 : i32
    %dma_start3A_31 = arith.constant 0 : i32
    %dma_start3A_32 = arith.constant 0 : i32
    %dma_start3A_33 = arith.constant 0 : i32
    %dma_start3A_34 = tpu.memref_slice %arg6[%dma_start3A_31, %dma_start3A_32, %dma_start3A_33] : memref<4x128x128xf32, #tpu.memory_space<vmem>> -> memref<1x128x128xf32, #tpu.memory_space<vmem>>
    %dma_start3A_35 = tpu.memref_squeeze %dma_start3A_34 : memref<1x128x128xf32, #tpu.memory_space<vmem>> -> memref<128x128xf32, #tpu.memory_space<vmem>>
    %dma_start3A_36 = arith.constant 0 : i32
    %dma_start3A_37 = tpu.memref_slice %arg4[%add3A_30, %dma_start3A_36] : memref<16384x128xf32, #tpu.memory_space<hbm>> -> memref<128x128xf32, #tpu.memory_space<hbm>>
    %dma_start3A_38 = arith.constant 0 : i32
    %dma_start3A_39 = tpu.memref_slice %arg4[%add3A_30, %dma_start3A_38] : memref<16384x128xf32, #tpu.memory_space<hbm>> -> memref<128x128xf32, #tpu.memory_space<hbm>>
    %dma_start3A_40 = arith.constant 0 : i32
    %dma_start3A_41 = arith.constant 0 : i32
    %dma_start3A_42 = tpu.memref_slice %arg6[%dma_start3A_31, %dma_start3A_40, %dma_start3A_41] : memref<4x128x128xf32, #tpu.memory_space<vmem>> -> memref<1x128x128xf32, #tpu.memory_space<vmem>>
    %dma_start3A_43 = tpu.memref_squeeze %dma_start3A_42 : memref<1x128x128xf32, #tpu.memory_space<vmem>> -> memref<128x128xf32, #tpu.memory_space<vmem>>
    tpu.enqueue_dma source(%dma_start3A_43 : memref<128x128xf32, #tpu.memory_space<vmem>>) target(%dma_start3A_39 : memref<128x128xf32, #tpu.memory_space<hbm>>) target_semaphore(%arg10 : memref<!tpu.dma_semaphore, #tpu.memory_space<semaphore_mem>>)
    %dma_start3A_44 = arith.constant 1 : i32
    %dma_start3A_45 = arith.constant 0 : i32
    %dma_start3A_46 = arith.constant 0 : i32
    %dma_start3A_47 = tpu.memref_slice %arg6[%dma_start3A_44, %dma_start3A_45, %dma_start3A_46] : memref<4x128x128xf32, #tpu.memory_space<vmem>> -> memref<1x128x128xf32, #tpu.memory_space<vmem>>
    %dma_start3A_48 = tpu.memref_squeeze %dma_start3A_47 : memref<1x128x128xf32, #tpu.memory_space<vmem>> -> memref<128x128xf32, #tpu.memory_space<vmem>>
    %dma_start3A_49 = arith.constant 128 : i32
    %dma_start3A_50 = tpu.memref_slice %arg5[%dma_start3A_49] : memref<512xi32, #tpu.memory_space<vmem>> -> memref<128xi32, #tpu.memory_space<vmem>>
    %dma_start3A_51 = arith.constant 0 : i32
    %dma_start3A_52 = arith.constant 0 : i32
    %dma_start3A_53 = tpu.memref_slice %arg7[%dma_start3A_51, %dma_start3A_52] : memref<1024x128xf32, #tpu.memory_space<vmem_shared>> -> memref<1024x128xf32, #tpu.memory_space<vmem_shared>>
    tpu.enqueue_indirect_dma source(%dma_start3A_53 : memref<1024x128xf32, #tpu.memory_space<vmem_shared>>) target(%dma_start3A_48 : memref<128x128xf32, #tpu.memory_space<vmem>>) offsets(%dma_start3A_50 : memref<128xi32, #tpu.memory_space<vmem>>) semaphore(%arg9 : memref<!tpu.dma_semaphore, #tpu.memory_space<semaphore_mem>>)
    %dma_wait3A_54 = arith.constant 1 : i32
    %dma_wait3A_55 = arith.constant 0 : i32
    %dma_wait3A_56 = arith.constant 0 : i32
    %dma_wait3A_57 = tpu.memref_slice %arg6[%dma_wait3A_54, %dma_wait3A_55, %dma_wait3A_56] : memref<4x128x128xf32, #tpu.memory_space<vmem>> -> memref<1x128x128xf32, #tpu.memory_space<vmem>>
    %dma_wait3A_58 = tpu.memref_squeeze %dma_wait3A_57 : memref<1x128x128xf32, #tpu.memory_space<vmem>> -> memref<128x128xf32, #tpu.memory_space<vmem>>
    %dma_wait3A_59 = arith.constant 128 : i32
    %dma_wait3A_60 = tpu.memref_slice %arg5[%dma_wait3A_59] : memref<512xi32, #tpu.memory_space<vmem>> -> memref<128xi32, #tpu.memory_space<vmem>>
    %dma_wait3A_61 = arith.constant 0 : i32
    %dma_wait3A_62 = arith.constant 0 : i32
    %dma_wait3A_63 = tpu.memref_slice %arg7[%dma_wait3A_61, %dma_wait3A_62] : memref<1024x128xf32, #tpu.memory_space<vmem_shared>> -> memref<1024x128xf32, #tpu.memory_space<vmem_shared>>
    tpu.wait_indirect_dma semaphore(%arg9 : memref<!tpu.dma_semaphore, #tpu.memory_space<semaphore_mem>>) src(%dma_wait3A_63 : memref<1024x128xf32, #tpu.memory_space<vmem_shared>>) dst(%dma_wait3A_58 : memref<128x128xf32, #tpu.memory_space<vmem>>)
    %add3A_64 = arith.constant 128 : i32
    %add3A_65 = arith.addi %mul3A_2, %add3A_64 : i32
    %dma_start3A_66 = arith.constant 1 : i32
    %dma_start3A_67 = arith.constant 0 : i32
    %dma_start3A_68 = arith.constant 0 : i32
    %dma_start3A_69 = tpu.memref_slice %arg6[%dma_start3A_66, %dma_start3A_67, %dma_start3A_68] : memref<4x128x128xf32, #tpu.memory_space<vmem>> -> memref<1x128x128xf32, #tpu.memory_space<vmem>>
    %dma_start3A_70 = tpu.memref_squeeze %dma_start3A_69 : memref<1x128x128xf32, #tpu.memory_space<vmem>> -> memref<128x128xf32, #tpu.memory_space<vmem>>
    %dma_start3A_71 = arith.constant 0 : i32
    %dma_start3A_72 = tpu.memref_slice %arg4[%add3A_65, %dma_start3A_71] : memref<16384x128xf32, #tpu.memory_space<hbm>> -> memref<128x128xf32, #tpu.memory_space<hbm>>
    %dma_start3A_73 = arith.constant 0 : i32
    %dma_start3A_74 = tpu.memref_slice %arg4[%add3A_65, %dma_start3A_73] : memref<16384x128xf32, #tpu.memory_space<hbm>> -> memref<128x128xf32, #tpu.memory_space<hbm>>
    %dma_start3A_75 = arith.constant 0 : i32
    %dma_start3A_76 = arith.constant 0 : i32
    %dma_start3A_77 = tpu.memref_slice %arg6[%dma_start3A_66, %dma_start3A_75, %dma_start3A_76] : memref<4x128x128xf32, #tpu.memory_space<vmem>> -> memref<1x128x128xf32, #tpu.memory_space<vmem>>
    %dma_start3A_78 = tpu.memref_squeeze %dma_start3A_77 : memref<1x128x128xf32, #tpu.memory_space<vmem>> -> memref<128x128xf32, #tpu.memory_space<vmem>>
    tpu.enqueue_dma source(%dma_start3A_78 : memref<128x128xf32, #tpu.memory_space<vmem>>) target(%dma_start3A_74 : memref<128x128xf32, #tpu.memory_space<hbm>>) target_semaphore(%arg11 : memref<!tpu.dma_semaphore, #tpu.memory_space<semaphore_mem>>)
    %dma_start3A_79 = arith.constant 2 : i32
    %dma_start3A_80 = arith.constant 0 : i32
    %dma_start3A_81 = arith.constant 0 : i32
    %dma_start3A_82 = tpu.memref_slice %arg6[%dma_start3A_79, %dma_start3A_80, %dma_start3A_81] : memref<4x128x128xf32, #tpu.memory_space<vmem>> -> memref<1x128x128xf32, #tpu.memory_space<vmem>>
    %dma_start3A_83 = tpu.memref_squeeze %dma_start3A_82 : memref<1x128x128xf32, #tpu.memory_space<vmem>> -> memref<128x128xf32, #tpu.memory_space<vmem>>
    %dma_start3A_84 = arith.constant 256 : i32
    %dma_start3A_85 = tpu.memref_slice %arg5[%dma_start3A_84] : memref<512xi32, #tpu.memory_space<vmem>> -> memref<128xi32, #tpu.memory_space<vmem>>
    %dma_start3A_86 = arith.constant 0 : i32
    %dma_start3A_87 = arith.constant 0 : i32
    %dma_start3A_88 = tpu.memref_slice %arg7[%dma_start3A_86, %dma_start3A_87] : memref<1024x128xf32, #tpu.memory_space<vmem_shared>> -> memref<1024x128xf32, #tpu.memory_space<vmem_shared>>
    tpu.enqueue_indirect_dma source(%dma_start3A_88 : memref<1024x128xf32, #tpu.memory_space<vmem_shared>>) target(%dma_start3A_83 : memref<128x128xf32, #tpu.memory_space<vmem>>) offsets(%dma_start3A_85 : memref<128xi32, #tpu.memory_space<vmem>>) semaphore(%arg9 : memref<!tpu.dma_semaphore, #tpu.memory_space<semaphore_mem>>)
    %dma_wait3A_89 = arith.constant 2 : i32
    %dma_wait3A_90 = arith.constant 0 : i32
    %dma_wait3A_91 = arith.constant 0 : i32
    %dma_wait3A_92 = tpu.memref_slice %arg6[%dma_wait3A_89, %dma_wait3A_90, %dma_wait3A_91] : memref<4x128x128xf32, #tpu.memory_space<vmem>> -> memref<1x128x128xf32, #tpu.memory_space<vmem>>
    %dma_wait3A_93 = tpu.memref_squeeze %dma_wait3A_92 : memref<1x128x128xf32, #tpu.memory_space<vmem>> -> memref<128x128xf32, #tpu.memory_space<vmem>>
    %dma_wait3A_94 = arith.constant 256 : i32
    %dma_wait3A_95 = tpu.memref_slice %arg5[%dma_wait3A_94] : memref<512xi32, #tpu.memory_space<vmem>> -> memref<128xi32, #tpu.memory_space<vmem>>
    %dma_wait3A_96 = arith.constant 0 : i32
    %dma_wait3A_97 = arith.constant 0 : i32
    %dma_wait3A_98 = tpu.memref_slice %arg7[%dma_wait3A_96, %dma_wait3A_97] : memref<1024x128xf32, #tpu.memory_space<vmem_shared>> -> memref<1024x128xf32, #tpu.memory_space<vmem_shared>>
    tpu.wait_indirect_dma semaphore(%arg9 : memref<!tpu.dma_semaphore, #tpu.memory_space<semaphore_mem>>) src(%dma_wait3A_98 : memref<1024x128xf32, #tpu.memory_space<vmem_shared>>) dst(%dma_wait3A_93 : memref<128x128xf32, #tpu.memory_space<vmem>>)
    %add3A_99 = arith.constant 256 : i32
    %add3A_100 = arith.addi %mul3A_2, %add3A_99 : i32
    %dma_start3A_101 = arith.constant 2 : i32
    %dma_start3A_102 = arith.constant 0 : i32
    %dma_start3A_103 = arith.constant 0 : i32
    %dma_start3A_104 = tpu.memref_slice %arg6[%dma_start3A_101, %dma_start3A_102, %dma_start3A_103] : memref<4x128x128xf32, #tpu.memory_space<vmem>> -> memref<1x128x128xf32, #tpu.memory_space<vmem>>
    %dma_start3A_105 = tpu.memref_squeeze %dma_start3A_104 : memref<1x128x128xf32, #tpu.memory_space<vmem>> -> memref<128x128xf32, #tpu.memory_space<vmem>>
    %dma_start3A_106 = arith.constant 0 : i32
    %dma_start3A_107 = tpu.memref_slice %arg4[%add3A_100, %dma_start3A_106] : memref<16384x128xf32, #tpu.memory_space<hbm>> -> memref<128x128xf32, #tpu.memory_space<hbm>>
    %dma_start3A_108 = arith.constant 0 : i32
    %dma_start3A_109 = tpu.memref_slice %arg4[%add3A_100, %dma_start3A_108] : memref<16384x128xf32, #tpu.memory_space<hbm>> -> memref<128x128xf32, #tpu.memory_space<hbm>>
    %dma_start3A_110 = arith.constant 0 : i32
    %dma_start3A_111 = arith.constant 0 : i32
    %dma_start3A_112 = tpu.memref_slice %arg6[%dma_start3A_101, %dma_start3A_110, %dma_start3A_111] : memref<4x128x128xf32, #tpu.memory_space<vmem>> -> memref<1x128x128xf32, #tpu.memory_space<vmem>>
    %dma_start3A_113 = tpu.memref_squeeze %dma_start3A_112 : memref<1x128x128xf32, #tpu.memory_space<vmem>> -> memref<128x128xf32, #tpu.memory_space<vmem>>
    tpu.enqueue_dma source(%dma_start3A_113 : memref<128x128xf32, #tpu.memory_space<vmem>>) target(%dma_start3A_109 : memref<128x128xf32, #tpu.memory_space<hbm>>) target_semaphore(%arg12 : memref<!tpu.dma_semaphore, #tpu.memory_space<semaphore_mem>>)
    %dma_start3A_114 = arith.constant 3 : i32
    %dma_start3A_115 = arith.constant 0 : i32
    %dma_start3A_116 = arith.constant 0 : i32
    %dma_start3A_117 = tpu.memref_slice %arg6[%dma_start3A_114, %dma_start3A_115, %dma_start3A_116] : memref<4x128x128xf32, #tpu.memory_space<vmem>> -> memref<1x128x128xf32, #tpu.memory_space<vmem>>
    %dma_start3A_118 = tpu.memref_squeeze %dma_start3A_117 : memref<1x128x128xf32, #tpu.memory_space<vmem>> -> memref<128x128xf32, #tpu.memory_space<vmem>>
    %dma_start3A_119 = arith.constant 384 : i32
    %dma_start3A_120 = tpu.memref_slice %arg5[%dma_start3A_119] : memref<512xi32, #tpu.memory_space<vmem>> -> memref<128xi32, #tpu.memory_space<vmem>>
    %dma_start3A_121 = arith.constant 0 : i32
    %dma_start3A_122 = arith.constant 0 : i32
    %dma_start3A_123 = tpu.memref_slice %arg7[%dma_start3A_121, %dma_start3A_122] : memref<1024x128xf32, #tpu.memory_space<vmem_shared>> -> memref<1024x128xf32, #tpu.memory_space<vmem_shared>>
    tpu.enqueue_indirect_dma source(%dma_start3A_123 : memref<1024x128xf32, #tpu.memory_space<vmem_shared>>) target(%dma_start3A_118 : memref<128x128xf32, #tpu.memory_space<vmem>>) offsets(%dma_start3A_120 : memref<128xi32, #tpu.memory_space<vmem>>) semaphore(%arg9 : memref<!tpu.dma_semaphore, #tpu.memory_space<semaphore_mem>>)
    %dma_wait3A_124 = arith.constant 3 : i32
    %dma_wait3A_125 = arith.constant 0 : i32
    %dma_wait3A_126 = arith.constant 0 : i32
    %dma_wait3A_127 = tpu.memref_slice %arg6[%dma_wait3A_124, %dma_wait3A_125, %dma_wait3A_126] : memref<4x128x128xf32, #tpu.memory_space<vmem>> -> memref<1x128x128xf32, #tpu.memory_space<vmem>>
    %dma_wait3A_128 = tpu.memref_squeeze %dma_wait3A_127 : memref<1x128x128xf32, #tpu.memory_space<vmem>> -> memref<128x128xf32, #tpu.memory_space<vmem>>
    %dma_wait3A_129 = arith.constant 384 : i32
    %dma_wait3A_130 = tpu.memref_slice %arg5[%dma_wait3A_129] : memref<512xi32, #tpu.memory_space<vmem>> -> memref<128xi32, #tpu.memory_space<vmem>>
    %dma_wait3A_131 = arith.constant 0 : i32
    %dma_wait3A_132 = arith.constant 0 : i32
    %dma_wait3A_133 = tpu.memref_slice %arg7[%dma_wait3A_131, %dma_wait3A_132] : memref<1024x128xf32, #tpu.memory_space<vmem_shared>> -> memref<1024x128xf32, #tpu.memory_space<vmem_shared>>
    tpu.wait_indirect_dma semaphore(%arg9 : memref<!tpu.dma_semaphore, #tpu.memory_space<semaphore_mem>>) src(%dma_wait3A_133 : memref<1024x128xf32, #tpu.memory_space<vmem_shared>>) dst(%dma_wait3A_128 : memref<128x128xf32, #tpu.memory_space<vmem>>)
    %add3A_134 = arith.constant 384 : i32
    %add3A_135 = arith.addi %mul3A_2, %add3A_134 : i32
    %dma_start3A_136 = arith.constant 3 : i32
    %dma_start3A_137 = arith.constant 0 : i32
    %dma_start3A_138 = arith.constant 0 : i32
    %dma_start3A_139 = tpu.memref_slice %arg6[%dma_start3A_136, %dma_start3A_137, %dma_start3A_138] : memref<4x128x128xf32, #tpu.memory_space<vmem>> -> memref<1x128x128xf32, #tpu.memory_space<vmem>>
    %dma_start3A_140 = tpu.memref_squeeze %dma_start3A_139 : memref<1x128x128xf32, #tpu.memory_space<vmem>> -> memref<128x128xf32, #tpu.memory_space<vmem>>
    %dma_start3A_141 = arith.constant 0 : i32
    %dma_start3A_142 = tpu.memref_slice %arg4[%add3A_135, %dma_start3A_141] : memref<16384x128xf32, #tpu.memory_space<hbm>> -> memref<128x128xf32, #tpu.memory_space<hbm>>
    %dma_start3A_143 = arith.constant 0 : i32
    %dma_start3A_144 = tpu.memref_slice %arg4[%add3A_135, %dma_start3A_143] : memref<16384x128xf32, #tpu.memory_space<hbm>> -> memref<128x128xf32, #tpu.memory_space<hbm>>
    %dma_start3A_145 = arith.constant 0 : i32
    %dma_start3A_146 = arith.constant 0 : i32
    %dma_start3A_147 = tpu.memref_slice %arg6[%dma_start3A_136, %dma_start3A_145, %dma_start3A_146] : memref<4x128x128xf32, #tpu.memory_space<vmem>> -> memref<1x128x128xf32, #tpu.memory_space<vmem>>
    %dma_start3A_148 = tpu.memref_squeeze %dma_start3A_147 : memref<1x128x128xf32, #tpu.memory_space<vmem>> -> memref<128x128xf32, #tpu.memory_space<vmem>>
    tpu.enqueue_dma source(%dma_start3A_148 : memref<128x128xf32, #tpu.memory_space<vmem>>) target(%dma_start3A_144 : memref<128x128xf32, #tpu.memory_space<hbm>>) target_semaphore(%arg13 : memref<!tpu.dma_semaphore, #tpu.memory_space<semaphore_mem>>)
    %dma_wait3A_149 = arith.constant 0 : i32
    %dma_wait3A_150 = arith.constant 0 : i32
    %dma_wait3A_151 = arith.constant 0 : i32
    %dma_wait3A_152 = tpu.memref_slice %arg6[%dma_wait3A_149, %dma_wait3A_150, %dma_wait3A_151] : memref<4x128x128xf32, #tpu.memory_space<vmem>> -> memref<1x128x128xf32, #tpu.memory_space<vmem>>
    %dma_wait3A_153 = tpu.memref_squeeze %dma_wait3A_152 : memref<1x128x128xf32, #tpu.memory_space<vmem>> -> memref<128x128xf32, #tpu.memory_space<vmem>>
    %dma_wait3A_154 = arith.constant 0 : i32
    %dma_wait3A_155 = tpu.memref_slice %arg4[%add3A_30, %dma_wait3A_154] : memref<16384x128xf32, #tpu.memory_space<hbm>> -> memref<128x128xf32, #tpu.memory_space<hbm>>
    %dma_wait3A_156 = arith.constant 0 : i32
    %dma_wait3A_157 = tpu.memref_slice %arg4[%add3A_30, %dma_wait3A_156] : memref<16384x128xf32, #tpu.memory_space<hbm>> -> memref<128x128xf32, #tpu.memory_space<hbm>>
    %dma_wait3A_158 = arith.constant 0 : i32
    %dma_wait3A_159 = arith.constant 0 : i32
    %dma_wait3A_160 = tpu.memref_slice %arg6[%dma_wait3A_149, %dma_wait3A_158, %dma_wait3A_159] : memref<4x128x128xf32, #tpu.memory_space<vmem>> -> memref<1x128x128xf32, #tpu.memory_space<vmem>>
    %dma_wait3A_161 = tpu.memref_squeeze %dma_wait3A_160 : memref<1x128x128xf32, #tpu.memory_space<vmem>> -> memref<128x128xf32, #tpu.memory_space<vmem>>
    tpu.wait_dma2 semaphore(%arg10 : memref<!tpu.dma_semaphore, #tpu.memory_space<semaphore_mem>>) src(%dma_wait3A_161 : memref<128x128xf32, #tpu.memory_space<vmem>>) dst(%dma_wait3A_157 : memref<128x128xf32, #tpu.memory_space<hbm>>)
    %dma_wait3A_162 = arith.constant 1 : i32
    %dma_wait3A_163 = arith.constant 0 : i32
    %dma_wait3A_164 = arith.constant 0 : i32
    %dma_wait3A_165 = tpu.memref_slice %arg6[%dma_wait3A_162, %dma_wait3A_163, %dma_wait3A_164] : memref<4x128x128xf32, #tpu.memory_space<vmem>> -> memref<1x128x128xf32, #tpu.memory_space<vmem>>
    %dma_wait3A_166 = tpu.memref_squeeze %dma_wait3A_165 : memref<1x128x128xf32, #tpu.memory_space<vmem>> -> memref<128x128xf32, #tpu.memory_space<vmem>>
    %dma_wait3A_167 = arith.constant 0 : i32
    %dma_wait3A_168 = tpu.memref_slice %arg4[%add3A_65, %dma_wait3A_167] : memref<16384x128xf32, #tpu.memory_space<hbm>> -> memref<128x128xf32, #tpu.memory_space<hbm>>
    %dma_wait3A_169 = arith.constant 0 : i32
    %dma_wait3A_170 = tpu.memref_slice %arg4[%add3A_65, %dma_wait3A_169] : memref<16384x128xf32, #tpu.memory_space<hbm>> -> memref<128x128xf32, #tpu.memory_space<hbm>>
    %dma_wait3A_171 = arith.constant 0 : i32
    %dma_wait3A_172 = arith.constant 0 : i32
    %dma_wait3A_173 = tpu.memref_slice %arg6[%dma_wait3A_162, %dma_wait3A_171, %dma_wait3A_172] : memref<4x128x128xf32, #tpu.memory_space<vmem>> -> memref<1x128x128xf32, #tpu.memory_space<vmem>>
    %dma_wait3A_174 = tpu.memref_squeeze %dma_wait3A_173 : memref<1x128x128xf32, #tpu.memory_space<vmem>> -> memref<128x128xf32, #tpu.memory_space<vmem>>
    tpu.wait_dma2 semaphore(%arg11 : memref<!tpu.dma_semaphore, #tpu.memory_space<semaphore_mem>>) src(%dma_wait3A_174 : memref<128x128xf32, #tpu.memory_space<vmem>>) dst(%dma_wait3A_170 : memref<128x128xf32, #tpu.memory_space<hbm>>)
    %dma_wait3A_175 = arith.constant 2 : i32
    %dma_wait3A_176 = arith.constant 0 : i32
    %dma_wait3A_177 = arith.constant 0 : i32
    %dma_wait3A_178 = tpu.memref_slice %arg6[%dma_wait3A_175, %dma_wait3A_176, %dma_wait3A_177] : memref<4x128x128xf32, #tpu.memory_space<vmem>> -> memref<1x128x128xf32, #tpu.memory_space<vmem>>
    %dma_wait3A_179 = tpu.memref_squeeze %dma_wait3A_178 : memref<1x128x128xf32, #tpu.memory_space<vmem>> -> memref<128x128xf32, #tpu.memory_space<vmem>>
    %dma_wait3A_180 = arith.constant 0 : i32
    %dma_wait3A_181 = tpu.memref_slice %arg4[%add3A_100, %dma_wait3A_180] : memref<16384x128xf32, #tpu.memory_space<hbm>> -> memref<128x128xf32, #tpu.memory_space<hbm>>
    %dma_wait3A_182 = arith.constant 0 : i32
    %dma_wait3A_183 = tpu.memref_slice %arg4[%add3A_100, %dma_wait3A_182] : memref<16384x128xf32, #tpu.memory_space<hbm>> -> memref<128x128xf32, #tpu.memory_space<hbm>>
    %dma_wait3A_184 = arith.constant 0 : i32
    %dma_wait3A_185 = arith.constant 0 : i32
    %dma_wait3A_186 = tpu.memref_slice %arg6[%dma_wait3A_175, %dma_wait3A_184, %dma_wait3A_185] : memref<4x128x128xf32, #tpu.memory_space<vmem>> -> memref<1x128x128xf32, #tpu.memory_space<vmem>>
    %dma_wait3A_187 = tpu.memref_squeeze %dma_wait3A_186 : memref<1x128x128xf32, #tpu.memory_space<vmem>> -> memref<128x128xf32, #tpu.memory_space<vmem>>
    tpu.wait_dma2 semaphore(%arg12 : memref<!tpu.dma_semaphore, #tpu.memory_space<semaphore_mem>>) src(%dma_wait3A_187 : memref<128x128xf32, #tpu.memory_space<vmem>>) dst(%dma_wait3A_183 : memref<128x128xf32, #tpu.memory_space<hbm>>)
    %dma_wait3A_188 = arith.constant 3 : i32
    %dma_wait3A_189 = arith.constant 0 : i32
    %dma_wait3A_190 = arith.constant 0 : i32
    %dma_wait3A_191 = tpu.memref_slice %arg6[%dma_wait3A_188, %dma_wait3A_189, %dma_wait3A_190] : memref<4x128x128xf32, #tpu.memory_space<vmem>> -> memref<1x128x128xf32, #tpu.memory_space<vmem>>
    %dma_wait3A_192 = tpu.memref_squeeze %dma_wait3A_191 : memref<1x128x128xf32, #tpu.memory_space<vmem>> -> memref<128x128xf32, #tpu.memory_space<vmem>>
    %dma_wait3A_193 = arith.constant 0 : i32
    %dma_wait3A_194 = tpu.memref_slice %arg4[%add3A_135, %dma_wait3A_193] : memref<16384x128xf32, #tpu.memory_space<hbm>> -> memref<128x128xf32, #tpu.memory_space<hbm>>
    %dma_wait3A_195 = arith.constant 0 : i32
    %dma_wait3A_196 = tpu.memref_slice %arg4[%add3A_135, %dma_wait3A_195] : memref<16384x128xf32, #tpu.memory_space<hbm>> -> memref<128x128xf32, #tpu.memory_space<hbm>>
    %dma_wait3A_197 = arith.constant 0 : i32
    %dma_wait3A_198 = arith.constant 0 : i32
    %dma_wait3A_199 = tpu.memref_slice %arg6[%dma_wait3A_188, %dma_wait3A_197, %dma_wait3A_198] : memref<4x128x128xf32, #tpu.memory_space<vmem>> -> memref<1x128x128xf32, #tpu.memory_space<vmem>>
    %dma_wait3A_200 = tpu.memref_squeeze %dma_wait3A_199 : memref<1x128x128xf32, #tpu.memory_space<vmem>> -> memref<128x128xf32, #tpu.memory_space<vmem>>
    tpu.wait_dma2 semaphore(%arg13 : memref<!tpu.dma_semaphore, #tpu.memory_space<semaphore_mem>>) src(%dma_wait3A_200 : memref<128x128xf32, #tpu.memory_space<vmem>>) dst(%dma_wait3A_196 : memref<128x128xf32, #tpu.memory_space<hbm>>)
    return
  }
}

module attributes {stable_mosaic.version = 14 : i64} {
  func.func @body(%arg0: i32, %arg1: memref<4096x128xf32, #tpu.memory_space<vmem>>, %arg2: memref<32x4096xf32, #tpu.memory_space<vmem>>) attributes {dimension_semantics = [#tpu.dimension_semantics<arbitrary>], iteration_bounds = array<i64: 4>, scalar_prefetch = 0 : i64, scratch_operands = 0 : i64, tpu.core_type = #tpu.core_type<tc>, window_params = [{transform_indices = @transform_0, window_bounds = array<i64: 4096, 128>}, {transform_indices = @transform_1, window_bounds = array<i64: 32, 4096>}]} {
    %get3A = arith.constant 0 : index
    %get3A_0 = arith.constant 0 : index
    %get3A_1 = vector.load %arg1[%get3A, %get3A_0] : memref<4096x128xf32, #tpu.memory_space<vmem>>, vector<4096x32xf32>
    %transpose3A = tpu.transpose %get3A_1, [1, 0] : vector<4096x32xf32> -> vector<32x4096xf32>
    %swap3A = arith.constant 0 : index
    %swap3A_2 = arith.constant 0 : index
    %swap3A_3 = vector.load %arg2[%swap3A, %swap3A_2] : memref<32x4096xf32, #tpu.memory_space<vmem>>, vector<32x4096xf32>
    tpu.vector_store %arg2[%swap3A, %swap3A_2], %transpose3A {strides = array<i32>} : memref<32x4096xf32, #tpu.memory_space<vmem>>, vector<32x4096xf32>,
    return
  }
  func.func @transform_0(%arg0: i32) -> (i32, i32) {
    %c0_i32 = arith.constant 0 : i32
    %c0_i32_0 = arith.constant 0 : i32
    return %arg0, %c0_i32 : i32, i32
  }
  func.func @transform_1(%arg0: i32) -> (i32, i32) {
    %c0_i32 = arith.constant 0 : i32
    %c0_i32_0 = arith.constant 0 : i32
    return %c0_i32, %arg0 : i32, i32
  }
}

</mosaic_0001>

<sc_bundles>
// kernel: kernel.4.cloned.1.call-start
scs
__scs_entry_jumppad:
0x0: {  	(pc) =	sbr.rel $0x88, $3  }
0x1: {  	(tag) =	ssettag $0x0;
	lr =	simm.s32 $0x1  }
0x2: {  	[smem:$0x3F9F] =	sst lr;
	_ =	strace $0xD0000000  }
0x3: {  	_ = 	snop  }
0x4: {  	_ = 	snop  }
0x5: {  	_ = 	snop  }
0x6: {  	_ = 	snop  }
0x7: {  	_ = 	snop  }
__scs_overlays_trampoline_lowered:
0x8: {  	[smem:$0x3FAE] =	sst s0  }
0x9: {  	[smem:$0x3FAF] =	sst s1  }
0xa: {  	[smem:$0x3FB0] =	sst s2  }
0xb: {  	[smem:$0x3FB1] =	sst s3  }
0xc: {  	[smem:$0x3FB2] =	sst s4  }
0xd: {  	[smem:$0x3FB3] =	sst s5  }
0xe: {  	[smem:$0x3FB4] =	sst s6  }
0xf: {  	[smem:$0x3FB5] =	sst s7  }
0x10: {  	[smem:$0x3FB6] =	sst s8  }
0x11: {  	[smem:$0x3FB7] =	sst s9;
	s0 =	simm.s32 @!p0 $0x0  }
0x12: {  	s1 =	sld [smem:$0x3F9D];
	s0 =	simm.s32 @p0 $0x1  }
0x13: {  	[smem:$0x3FB8] =	sst s0;
	s0 =	simm.s32 @!p1 $0x0  }
0x14: {  	s2 =	sld [smem:$0x3F9C];
	s0 =	simm.s32 @p1 $0x1  }
0x15: {  	[smem:$0x3FB9] =	sst s0;
	s0 =	simm.s32 @!p2 $0x0  }
0x16: {  	s3 =	sld [smem:$0x3FDB];
	s0 =	simm.s32 @p2 $0x1  }
0x17: {  	s4 =	simm.s32 $0x1BF5;
	[smem:$0x3FBB] =	sst s0  }
0x18: {  	s0 =	sld [smem:$0x3F9E];
	_ =	swait.ge [sflag:s4], $0x0  }
0x19: {  	s7 =	sld [smem:$0x3F9F]  }
0x1a: {  	s8 =	sadd.s32 $0xFFFFE003, lr  }
0x1b: {  	s9 =	sadd.s32 $0xFFFFFEF7, lr;
	s5 =	simm.s32 $0xFFFFFFFF;
	p2 =	slt.u32 s8, $0xFFFFF086  }
0x1c: {  	p1 =	slt.u32 s9, $0xF7A;
	s5 =	simm.s32 @!p2 $0x0  }
0x1d: {  	s5 =	simm.s32 @p1 $0x1;
	p0 =	seq.s32 s7, s2  }
0x1e: {  	s7 =	smul.u32 @!p0 $0xF7A, s2;
	p2 =	seq.s32 @!p0 s5, $0x0  }
0x1f: {  	s9 =	smul.u32 $0xF7A, s1;
	s8 =	simm.s32 @!p0 $0x1BF5;
	p2 =	por !p2, p0  }
0x20: {  	[sflag:s8] =	ssyncset.s32 @!p0 $0xFFFFF086;
	s6 =	sadd.s32 @!p0 s3, s7;
	s7 =	simm.s32 @!p0 $0x108  }
0x21: {  	s3 =	sadd.s32 s3, s9;
	s6 =	sadd.s32 @!p0 $0x88, s6;
	s7 =	simm.s32 @p2 $0x1082  }
0x22: {  	[simem:s7], [sflag:s8] =	dma.local @!p0 [hbm:s6], $0xF7A  }
0x23: {  	s9 =	sor.u32 $0xD0000000, s2;
	s6 =	simm.s32 $0x108;
	_ =	swait.ge @!p0 [sflag:s8], $0x0  }
0x24: {  	s3 =	sadd.s32 $0x88, s3;
	s6 =	simm.s32 @!p1 $0x1082;
	[sflag:s4] =	ssyncset.s32 $0xFFFFF086  }
0x25: {  	[simem:s6], [sflag:s4] =	dma.local [hbm:s3], $0xF7A  }
0x26: {  	[smem:$0x3F9F] =	sst s1;
	(tag) =	ssettag s2;
	_ =	strace s9  }
0x27: {  	s1 =	sld [smem:$0x3FAF]  }
0x28: {  	s2 =	sld [smem:$0x3FB0]  }
0x29: {  	s4 =	sld [smem:$0x3FB2]  }
0x2a: {  	p0 =	seq.s32 s5, $0x0;
	s5 =	sld [smem:$0x3FB3]  }
0x2b: {  	s6 =	sld [smem:$0x3FB4]  }
0x2c: {  	s7 =	sld [smem:$0x3FB5]  }
0x2d: {  	s3 =	simm.s32 $0x108;
	s8 =	sld [smem:$0x3FB6]  }
0x2e: {  	s3 =	simm.s32 @!p0 $0x1082;
	s9 =	sld [smem:$0x3FB7]  }
0x2f: {  	lr =	sadd.s32 s0, s3;
	s0 =	sld [smem:$0x3FAE]  }
0x30: {  	s3 =	sld [smem:$0x3FB1]  }
0x31: {  	[smem:$0x3FBA] =	sst s10  }
0x32: {  	s10 =	sld [smem:$0x3FB8];
	_ =	sdelay $0x3  }
0x33: {  	p0 =	seq.s32 s10, $0x1;
	s10 =	sld [smem:$0x3FBA];
	_ =	sdelay $0x3  }
0x34: {  	[smem:$0x3FBA] =	sst s10  }
0x35: {  	s10 =	sld [smem:$0x3FB9];
	_ =	sdelay $0x3  }
0x36: {  	p1 =	seq.s32 s10, $0x1;
	s10 =	sld [smem:$0x3FBA];
	_ =	sdelay $0x3  }
0x37: {  	[smem:$0x3FBA] =	sst s10  }
0x38: {  	s10 =	sld [smem:$0x3FBB]  }
0x39: {  	_ = 	snop;
	(pc) =	sbr.ind lr, $3  }
0x3a: {  	_ = 	snop  }
0x3b: {  	_ = 	snop  }
0x3c: {  	p2 =	seq.s32 s10, $0x1;
	s10 =	sld [smem:$0x3FBA]  }
0x3d: {  	_ =	shalt  }
0x3e: {  	_ =	shalt  }
0x3f: {  	_ =	shalt  }
0x40: {  	_ =	shalt  }
0x41: {  	_ =	shalt  }
0x42: {  	_ =	shalt  }
0x43: {  	_ =	shalt  }
0x44: {  	_ =	shalt  }
0x45: {  	_ =	shalt  }
0x46: {  	_ =	shalt  }
0x47: {  	_ =	shalt  }
0x48: {  	_ =	shalt  }
0x49: {  	_ =	shalt  }
0x4a: {  	_ =	shalt  }
0x4b: {  	_ =	shalt  }
0x4c: {  	_ =	shalt  }
0x4d: {  	_ =	shalt  }
0x4e: {  	_ =	shalt  }
0x4f: {  	_ =	shalt  }
0x50: {  	_ =	shalt  }
0x51: {  	_ =	shalt  }
0x52: {  	_ =	shalt  }
0x53: {  	_ =	shalt  }
0x54: {  	_ =	shalt  }
0x55: {  	_ =	shalt  }
0x56: {  	_ =	shalt  }
0x57: {  	_ =	shalt  }
0x58: {  	_ =	shalt  }
0x59: {  	_ =	shalt  }
0x5a: {  	_ =	shalt  }
0x5b: {  	_ =	shalt  }
0x5c: {  	_ =	shalt  }
0x5d: {  	_ =	shalt  }
0x5e: {  	_ =	shalt  }
0x5f: {  	_ =	shalt  }
0x60: {  	_ =	shalt  }
0x61: {  	_ =	shalt  }
0x62: {  	_ =	shalt  }
0x63: {  	_ =	shalt  }
0x64: {  	_ =	shalt  }
0x65: {  	_ =	shalt  }
0x66: {  	_ =	shalt  }
0x67: {  	_ =	shalt  }
0x68: {  	_ =	shalt  }
0x69: {  	_ =	shalt  }
0x6a: {  	_ =	shalt  }
0x6b: {  	_ =	shalt  }
0x6c: {  	_ =	shalt  }
0x6d: {  	_ =	shalt  }
0x6e: {  	_ =	shalt  }
0x6f: {  	_ =	shalt  }
0x70: {  	_ =	shalt  }
0x71: {  	_ =	shalt  }
0x72: {  	_ =	shalt  }
0x73: {  	_ =	shalt  }
0x74: {  	_ =	shalt  }
0x75: {  	_ =	shalt  }
0x76: {  	_ =	shalt  }
0x77: {  	_ =	shalt  }
0x78: {  	_ =	shalt  }
0x79: {  	_ =	shalt  }
0x7a: {  	_ =	shalt  }
0x7b: {  	_ =	shalt  }
0x7c: {  	_ =	shalt  }
0x7d: {  	_ =	shalt  }
0x7e: {  	_ =	shalt  }
0x7f: {  	_ =	shalt  }
0x80: {  	_ =	shalt  }
0x81: {  	_ =	shalt  }
0x82: {  	_ =	shalt  }
0x83: {  	_ =	shalt  }
0x84: {  	_ =	shalt  }
0x85: {  	_ =	shalt  }
0x86: {  	_ =	shalt  }
0x87: {  	_ =	shalt  }
.Lfunc_end0:
.L_simem_size_0:
called_computation_lowered:
.L_overlay_start_0:
0x88: {  	s2 =	sld [smem:$0x3FD9]  }
0x89: {  	s3 =	sld [smem:$0x3FFE];
	_ =	sdelay $0x1  }
0x8a: {  	s1 =	srdreg.scid  }
0x8b: {  	s0 =	sand.u32 $0x1, s1  }
0x8c: {  	s17 =	sshll.u32 s0, $0xA;
	s2 =	sadd.s32 s3, s2  }
0x8d: {  	s2 =	sadd.s32 s2, s17  }
0x8e: {  	[smem:$0x3FC6] =	sst s2  }
0x8f: {  	_ = 	snop  }
0x90: {  	s2 =	sld [smem:$0x3FC9]  }
0x91: {  	s18 =	sld [smem:$0x3FD0];
	(tm) =	ssettm $0x1  }
0x92: {  	s4 =	sld [smem:$0x3FFB];
	_ =	sdelay $0x3  }
0x93: {  	_ =	strace s4  }
0x94: {  	s4 =	sld [smem:$0x3FFC];
	_ =	sdelay $0x3  }
0x95: {  	_ =	strace s4  }
0x96: {  	s4 =	sld [smem:$0x3FFD];
	_ =	sdelay $0x3  }
0x97: {  	_ =	strace s4  }
0x98: {  	_ =	strace $0x8FFFFFFF  }
0x99: {  	s19 =	sld [smem:$0x3FDB];
	_ =	sdelay $0x1  }
0x9a: {  	s5 =	simm.s32 $_scs_section_size  }
0x9b: {  	s6 =	simm.s32 $_size__tile_overlayer_lowered;
	s7 =	simm.s32 $_tile_overlayer_lowered  }
0x9c: {  	s22 =	simm.s32 $0x1BFF;
	s21 =	sshll.u32 s7, $0x1;
	s4 =	sadd.s32 s5, s19  }
0x9d: {  	s8 =	simm.s32 $0x0;
	s20 =	sshll.u32 s6, $0x1;
	s6 =	sadd.s32 s21, s4  }
0x9e: {  	[timem:s8], [sflag:s22] =	dma.local [hbm:s6], s20  }
0x9f: {  	_ =	swait.ge [sflag:s22], s20  }
0xa0: {  	s5 =	ssub.s32 $0x0, s20;
	[sflag:s22] =	ssyncset.done $0x0  }
0xa1: {  	[sflag:s22] =	ssyncadd.s32 s5;
	_ =	sdelay $0x1  }
0xa2: {  	s23 =	simm.s32 $0x1B8B  }
0xa3: {  	_ =	swait.ge [sflag:s23], $0x1  }
0xa4: {  	[sflag:s23] =	ssyncset.done $0x0  }
0xa5: {  	s25 =	simm.s32 $0x1B8E;
	s24 =	sld [smem:$0x3FFE];
	[sflag:s23] =	ssyncadd.s32 $0xFFFFFFFF  }
0xa6: {  	s26 =	simm.s32 $execute0_lowered;
	[smem:$0x3FD2] =	sst s25  }
0xa7: {  	s6 =	sshll.u32 s26, $0x1;
	_ =	strace $0x80000046;
	[dreg:$0x1] =	wrdreg $0xFFFFFFFF  }
0xa8: {  	s28 =	simm.s32 $_size_execute0_lowered;
	s4 =	sadd.s32 s4, s6;
	[dreg:$0x0] =	wrdreg $0x0  }
0xa9: {  	s6 =	sshll.u32 s28, $0x1;
	[dreg:$0x2] =	wrdreg s4  }
0xaa: {  	[dreg:$0x3] =	wrdreg s6  }
0xab: {  	[dreg:$0x4] =	wrdreg $0xC0  }
0xac: {  	_ =	task [dreg:s8], $0x5FFFF  }
0xad: {  	[dreg:$0x1] =	wrdreg $0xFFFFFFFF  }
0xae: {  	[dreg:$0x0] =	wrdreg $0x60  }
0xaf: {  	[dreg:$0x2] =	wrdreg s2  }
0xb0: {  	[dreg:$0x3] =	wrdreg s18  }
0xb1: {  	[dreg:$0x4] =	wrdreg s24  }
0xb2: {  	[dreg:$0x5] =	wrdreg $0x102000  }
0xb3: {  	[dreg:$0x6] =	wrdreg $0x9  }
0xb4: {  	_ =	task.clear_ibuf [dreg:s8], $0x7FFFF;
	_ =	strace $0x90000046  }
0xb5: {  	s29 =	simm.s32 $0x9;
	_ =	strace $0x80000048  }
0xb6: {  	_ =	swait.ge [sflag:s29], $0x1  }
0xb7: {  	[sflag:s29] =	ssyncadd.s32 $0xFFFFFFFF  }
0xb8: {  	_ =	strace $0x90000048  }
0xb9: {  	_ =	sfence  }
0xba: {  	s30 =	sld [smem:$0x0];
	_ =	sdelay $0x2  }
0xbb: {  	s31 =	sshll.u32 s1, $0xD;
	s1 =	sshrl.u32 s1, $0x2  }
0xbc: {  	s3 =	sand.u32 $0x4000, s31;
	s1 =	sadd.s32 s1, s30  }
0xbd: {  	s0 =	sor.u32 s3, s0;
	s1 =	sshll.u32 s1, $0x11  }
0xbe: {  	s0 =	sor.u32 s1, s0  }
0xbf: {  	s0 =	sadd.s32 $0x8F2B, s0  }
0xc0: {  	[sflag:s0] =	ssyncadd.remote.s32 $0x1  }
0xc1: {  	_ =	sfence.sel $0xFFFF  }
0xc2: {  	[dreg:$0x0] =	wrdreg $0xFFFFFFFF;
	(pc) =	sbr.abs _section_cstart, $3  }
0xc3: {  	[dreg:$0x1] =	wrdreg $0xFFFFFFFF  }
0xc4: {  	_ =	task.clear_ibuf [dreg:s8], $0x2FFFF;
	_ =	strace $0x9FFFFFFF  }
0xc5: {  	(tm) =	ssettm $0x7FFFFFFF  }
tec
execute0_lowered:
.L_overlay_start_1:
0x0: {  	(tag) =	ssettag $0x1  }
0x1: {  	s4 =	rddreg [dreg:$0x0]  }
0x2: {  	s5 =	rddreg [dreg:$0x1];
	s1 =	srdreg.scid  }
0x3: {  	s13 =	rddreg [dreg:$0x2];
	s0 =	stileid.u32  }
0x4: {  	s2 =	rddreg [dreg:$0x3];
	s3 =	simm.s32 $0x0;
	s24 =	sand.u32 $0x1, s1  }
0x5: {  	s6 =	sshll.u32 s0, $0xA;
	s1 =	rddreg [dreg:$0x4];
	s7 =	sshll.u32 s24, $0x9  }
0x6: {  	s8 =	simm.s32 $0x7;
	[smem:$0x7FF] =	sst s3;
	s14 =	sor.u32 s7, s6  }
0x7: {  	s30 =	sshll.u32 s0, $0xD;
	s31 =	sshll.u32 s0, $0x6;
	s7 =	sshrl.u32 s14, $0x3  }
0x8: {  	_ =	strace $0x80000047;
	s4 =	sadd.s32 s4, s7;
	s7 =	sadd.s32 s30, s2  }
0x9: {  	s5 =	sadd.s32 s5, s6;
	s6 =	sor.u32 $0x1C07, s31;
	s7 =	sshrl.u32 s7, $0x3  }
0xa: {  	[tilespmem:s3], [sflag:$0x1] =	stream.linear.gather [hbm4b:s4+s3], $0x200, $0x38;
	[tilespmem:$0x12200] =	vst v63  }
0xb: {  	[spmem:s7], [sflag:s6] =	dma.local [hbm:s5], $0x400  }
0xc: {  	_ =	swait.ge [sflag:s8], $0x400  }
0xd: {  	[sflag:s8] =	ssyncset.done $0x0  }
0xe: {  	s9 =	simm.s32 $0x1;
	[sflag:s8] =	ssyncadd.s32 $0xFFFFFC00  }
0xf: {  	_ =	swait.ge [sflag:s9], $0x200  }
0x10: {  	[sflag:s9] =	ssyncset.done $0x0  }
0x11: {  	s10 =	simm.s32 $0x80;
	[sflag:s9] =	ssyncadd.s32 $0xFFFFFE00  }
0x12: {  	s11 =	simm.s32 $0x200;
	s12 =	simm.s32 $0x2;
	[bflag:$0x0] =	sbarrier.arrive $0xFFFF  }
0x13: {  	[tilespmem:s11], [sflag:$0x2] =	stream.indirect.gather [spmem:s2], $0x80, s3, s10, $0xb8;
	[tilespmem:$0x12200] =	vst v63  }
0x14: {  	s14 =	sshll.u32 s14, $0x4;
	_ =	swait.ge [sflag:s12], $0x4000  }
0x15: {  	s21 =	sadd.s32 s14, s13;
	[sflag:s12] =	ssyncset.done $0x0  }
0x16: {  	s13 =	sadd.s32 $0x600, s21;
	[sflag:s12] =	ssyncadd.s32 $0xFFFFC000  }
0x17: {  	[hbm4b:s13+s3] =	stream.linear.scatter [tilespmem:s11], [sflag:$0x3], $0x4000, $0x38;
	[tilespmem:$0x12200] =	vst v63  }
0x18: {  	s14 =	simm.s32 $0x4200  }
0x19: {  	[tilespmem:s14], [sflag:$0x2] =	stream.indirect.gather [spmem:s2], $0x80, s10, s10, $0xb8;
	[tilespmem:$0x12200] =	vst v63  }
0x1a: {  	_ =	swait.ge [sflag:s12], $0x4000  }
0x1b: {  	[sflag:s12] =	ssyncset.done $0x0  }
0x1c: {  	s15 =	sadd.s32 $0xE00, s21;
	[sflag:s12] =	ssyncadd.s32 $0xFFFFC000  }
0x1d: {  	[hbm4b:s15+s3] =	stream.linear.scatter [tilespmem:s14], [sflag:$0x4], $0x4000, $0x38;
	[tilespmem:$0x12200] =	vst v63  }
0x1e: {  	s16 =	simm.s32 $0x100;
	s17 =	simm.s32 $0x8200  }
0x1f: {  	[tilespmem:s17], [sflag:$0x2] =	stream.indirect.gather [spmem:s2], $0x80, s16, s10, $0xb8;
	[tilespmem:$0x12200] =	vst v63  }
0x20: {  	_ =	swait.ge [sflag:s12], $0x4000  }
0x21: {  	[sflag:s12] =	ssyncset.done $0x0  }
0x22: {  	s18 =	sadd.s32 $0x1600, s21;
	[sflag:s12] =	ssyncadd.s32 $0xFFFFC000  }
0x23: {  	[hbm4b:s18+s3] =	stream.linear.scatter [tilespmem:s17], [sflag:$0x5], $0x4000, $0x38;
	[tilespmem:$0x12200] =	vst v63  }
0x24: {  	s19 =	simm.s32 $0x180;
	s20 =	simm.s32 $0xC200  }
0x25: {  	[tilespmem:s20], [sflag:$0x2] =	stream.indirect.gather [spmem:s2], $0x80, s19, s10, $0xb8;
	[tilespmem:$0x12200] =	vst v63  }
0x26: {  	_ =	swait.ge [sflag:s12], $0x4000  }
0x27: {  	[sflag:s12] =	ssyncset.done $0x0  }
0x28: {  	s22 =	simm.s32 $0x3;
	s21 =	sadd.s32 $0x1E00, s21;
	[sflag:s12] =	ssyncadd.s32 $0xFFFFC000  }
0x29: {  	[hbm4b:s21+s3] =	stream.linear.scatter [tilespmem:s20], [sflag:$0x6], $0x4000, $0x38;
	[tilespmem:$0x12200] =	vst v63  }
0x2a: {  	_ =	swait.ge [sflag:s22], $0x4000  }
0x2b: {  	s25 =	ssub.s32 $0x2, s24;
	[sflag:s22] =	ssyncset.done $0x0  }
0x2c: {  	s23 =	simm.s32 $0x4;
	s26 =	sshrl.u32 s25, $0x1;
	[sflag:s22] =	ssyncadd.s32 $0xFFFFC000  }
0x2d: {  	s25 =	ssub.s32 s25, s26;
	_ =	swait.ge [sflag:s23], $0x4000  }
0x2e: {  	s26 =	smax.u32 s25, $0x1;
	[sflag:s23] =	ssyncset.done $0x0  }
0x2f: {  	s24 =	simm.s32 $0x5;
	p0 =	sne.s32 s26, $0x1;
	[sflag:s23] =	ssyncadd.s32 $0xFFFFC000  }
.Ltmp0:
0x30: {  	_ =	swait.ge [sflag:s24], $0x4000;
	(pc) =	sbr.rel @!p0 .LBB2_2-.Ltmp0, $4  }
0x31: {  	[sflag:s24] =	ssyncset.done $0x0  }
0x32: {  	s25 =	simm.s32 $0x6;
	[sflag:s24] =	ssyncadd.s32 $0xFFFFC000  }
0x33: {  	_ =	swait.ge [sflag:s25], $0x4000  }
0x34: {  	s26 =	sadd.s32 $0xFFFFFFFF, s26;
	[sflag:s25] =	ssyncset.done $0x0  }
.LBB2_1:
0x35: {  	p0 =	sne.s32 s26, $0x1;
	s26 =	sadd.s32 $0xFFFFFFFF, s26;
	[sflag:s25] =	ssyncadd.s32 $0xFFFFC000  }
0x36: {  	[tilespmem:s3], [sflag:$0x1] =	stream.linear.gather [hbm4b:s4+s3], $0x200, $0x38;
	[tilespmem:$0x12200] =	vst v63  }
0x37: {  	[spmem:s7], [sflag:s6] =	dma.local [hbm:s5], $0x400  }
0x38: {  	_ =	swait.ge [sflag:s8], $0x400  }
0x39: {  	[sflag:s8] =	ssyncset.done $0x0  }
0x3a: {  	[sflag:s8] =	ssyncadd.s32 $0xFFFFFC00  }
0x3b: {  	_ =	swait.ge [sflag:s9], $0x200  }
0x3c: {  	[sflag:s9] =	ssyncset.done $0x0  }
0x3d: {  	[sflag:s9] =	ssyncadd.s32 $0xFFFFFE00  }
0x3e: {  	[bflag:$0x0] =	sbarrier.arrive $0xFFFF  }
0x3f: {  	[tilespmem:s11], [sflag:$0x2] =	stream.indirect.gather [spmem:s2], $0x80, s3, s10, $0xb8;
	[tilespmem:$0x12200] =	vst v63  }
0x40: {  	_ =	swait.ge [sflag:s12], $0x4000  }
0x41: {  	[sflag:s12] =	ssyncset.done $0x0  }
0x42: {  	[sflag:s12] =	ssyncadd.s32 $0xFFFFC000  }
0x43: {  	[hbm4b:s13+s3] =	stream.linear.scatter [tilespmem:s11], [sflag:$0x3], $0x4000, $0x38;
	[tilespmem:$0x12200] =	vst v63  }
0x44: {  	_ = 	snop  }
0x45: {  	[tilespmem:s14], [sflag:$0x2] =	stream.indirect.gather [spmem:s2], $0x80, s10, s10, $0xb8;
	[tilespmem:$0x12200] =	vst v63  }
0x46: {  	_ =	swait.ge [sflag:s12], $0x4000  }
0x47: {  	[sflag:s12] =	ssyncset.done $0x0  }
0x48: {  	[sflag:s12] =	ssyncadd.s32 $0xFFFFC000  }
0x49: {  	[hbm4b:s15+s3] =	stream.linear.scatter [tilespmem:s14], [sflag:$0x4], $0x4000, $0x38;
	[tilespmem:$0x12200] =	vst v63  }
0x4a: {  	_ = 	snop  }
0x4b: {  	[tilespmem:s17], [sflag:$0x2] =	stream.indirect.gather [spmem:s2], $0x80, s16, s10, $0xb8;
	[tilespmem:$0x12200] =	vst v63  }
0x4c: {  	_ =	swait.ge [sflag:s12], $0x4000  }
0x4d: {  	[sflag:s12] =	ssyncset.done $0x0  }
0x4e: {  	[sflag:s12] =	ssyncadd.s32 $0xFFFFC000  }
0x4f: {  	[hbm4b:s18+s3] =	stream.linear.scatter [tilespmem:s17], [sflag:$0x5], $0x4000, $0x38;
	[tilespmem:$0x12200] =	vst v63  }
0x50: {  	_ = 	snop  }
0x51: {  	[tilespmem:s20], [sflag:$0x2] =	stream.indirect.gather [spmem:s2], $0x80, s19, s10, $0xb8;
	[tilespmem:$0x12200] =	vst v63  }
0x52: {  	_ =	swait.ge [sflag:s12], $0x4000  }
0x53: {  	[sflag:s12] =	ssyncset.done $0x0  }
0x54: {  	[sflag:s12] =	ssyncadd.s32 $0xFFFFC000  }
0x55: {  	[hbm4b:s21+s3] =	stream.linear.scatter [tilespmem:s20], [sflag:$0x6], $0x4000, $0x38;
	[tilespmem:$0x12200] =	vst v63  }
0x56: {  	_ =	swait.ge [sflag:s22], $0x4000  }
0x57: {  	[sflag:s22] =	ssyncset.done $0x0  }
0x58: {  	[sflag:s22] =	ssyncadd.s32 $0xFFFFC000  }
0x59: {  	_ =	swait.ge [sflag:s23], $0x4000  }
0x5a: {  	[sflag:s23] =	ssyncset.done $0x0  }
0x5b: {  	[sflag:s23] =	ssyncadd.s32 $0xFFFFC000  }
.Ltmp1:
0x5c: {  	_ =	swait.ge [sflag:s24], $0x4000;
	(pc) =	sbr.rel @p0 .LBB2_1-.Ltmp1, $4  }
0x5d: {  	[sflag:s24] =	ssyncset.done $0x0  }
0x5e: {  	[sflag:s24] =	ssyncadd.s32 $0xFFFFC000  }
0x5f: {  	_ =	swait.ge [sflag:s25], $0x4000  }
0x60: {  	[sflag:s25] =	ssyncset.done $0x0  }
.LBB2_2:
0x61: {  	[sflag:s25] =	ssyncadd.s32 $0xFFFFC000  }
0x62: {  	_ =	sfence.sel $0x180000  }
0x63: {  	[bflag:$0x0] =	sbarrier.arrive $0xFFFF  }
0x64: {  	p0 =	sne.s32 s0, $0x0;
	_ =	strace $0x90000047  }
0x65: {  	s0 =	sadd.s32 @!p0 $0x100000, s1;
	[bflag:$0x2] =	sbarrier.arrive $0xFFFF  }
0x66: {  	[sflag:s0] =	ssyncadd.tile.s32 @!p0 $0x1;
	_ =	shalt  }
.Lfunc_end2:
_tile_overlayer_lowered:
.L_overlay_start_2:
0x67: {  	(tag) =	ssettag $0x2  }
0x68: {  	s0 =	rddreg [dreg:$0x0];
	s2 =	stileid.u32  }
0x69: {  	s1 =	rddreg [dreg:$0x1];
	p0 =	sne.s32 s2, $0x0  }
0x6a: {  	s3 =	rddreg [dreg:$0x2];
	[bflag:$0x3] =	sbarrier.arrive $0xFFFF;
	s2 =	simm.s32 @!p0 $0x1C07  }
0x6b: {  	[timem:s3], [sflag:s2] =	dma.local @!p0 [hbm:s0], s1  }
0x6c: {  	s0 =	simm.s32 @!p0 $0x7  }
0x6d: {  	_ =	swait.ge @!p0 [sflag:s0], s1  }
0x6e: {  	s1 =	ssub.s32 @!p0 $0x0, s1;
	[sflag:s0] =	ssyncset.done @!p0 $0x0  }
0x6f: {  	[sflag:s0] =	ssyncadd.s32 @!p0 s1  }
0x70: {  	[bflag:$0x3] =	sbarrier.arrive $0xFFFF  }
0x71: {  	_ =	shalt  }

</sc_bundles>
